<compile_context>
chip_gen: v7x
topology: tpu7x:2x2x1
jax: 0.10.2.dev20260603
libtpu: 0.0.44.dev20260713+nightly
codegen_flags: <defaults>
</compile_context>

<pallas_src>
import jax
import jax.numpy as jnp
from jax import lax
from jax.experimental import pallas as pl
from jax.experimental.pallas import tpu as pltpu
from jax.experimental.pallas import tpu_sc as plsc

N = 20000
CPW = 640
CHUNKS = CPW // 16

_LN2 = 0.6931471805599453
_SQRT2 = 1.4142135623730951


def _flog(x):
    xi = lax.bitcast_convert_type(x, jnp.int32)
    m = lax.bitcast_convert_type(
        (xi & jnp.int32(0x007FFFFF)) | jnp.int32(0x3F800000), jnp.float32
    )
    e = (lax.shift_right_logical(xi, jnp.int32(23)) & jnp.int32(0xFF)) - 127
    big = m > _SQRT2
    m = jnp.where(big, m * 0.5, m)
    e = jnp.where(big, e + 1, e)
    s = (m - 1.0) / (m + 1.0)
    z = s * s
    p = 2.0 * s * (1.0 + z * (1.0 / 3.0 + z * (0.2 + z * (1.0 / 7.0 + z / 9.0))))
    return e.astype(jnp.float32) * _LN2 + p


def _sc_body(rois_h, gt_h, lab_h, tgt_h, w_h, w2_h, rois_v, gt_v, lab_v, tgt_v, w_v):
    wid = lax.axis_index("s") * 2 + lax.axis_index("c")

    def span(base, cols):
        base = pl.multiple_of(jnp.minimum(base, 19456), 128)
        pltpu.sync_copy(
            rois_h.at[pl.ds(1, 4), :, pl.ds(base, cols)],
            rois_v.at[:, :, pl.ds(0, cols)],
        )
        pltpu.sync_copy(
            gt_h.at[:, :, pl.ds(base, cols)], gt_v.at[:, :, pl.ds(0, cols)]
        )
        pltpu.sync_copy(lab_h.at[pl.ds(base, cols)], lab_v.at[pl.ds(0, cols)])

        def chunk(j, carry):
            sl = pl.ds(j * 16, 16)
            tgt_v[0, 0, sl] = rois_v[0, 0, sl]
            return carry

        lax.fori_loop(0, cols // 16, chunk, 0)

        pltpu.sync_copy(
            tgt_v.at[:, :, pl.ds(0, cols)], tgt_h.at[:, :, pl.ds(base, cols)]
        )
        pltpu.sync_copy(
            w_v.at[:, :, pl.ds(0, cols)], w_h.at[:, :, pl.ds(base, cols)]
        )
        pltpu.sync_copy(
            w_v.at[:, :, pl.ds(0, cols)], w2_h.at[:, :, pl.ds(base, cols)]
        )

    span(wid * CPW, CPW)


_sc_call = pl.kernel(
    _sc_body,
    out_type=(
        jax.ShapeDtypeStruct((1, 4, N), jnp.float32),
        jax.ShapeDtypeStruct((1, 4, N), jnp.float32),
        jax.ShapeDtypeStruct((1, 4, N), jnp.float32),
    ),
    mesh=plsc.VectorSubcoreMesh(core_axis_name="c", subcore_axis_name="s"),
    compiler_params=pltpu.CompilerParams(
        needs_layout_passes=False,
        skip_device_barrier=True,
        disable_bounds_checks=True,
        disable_semaphore_checks=True,
    ),
    scratch_types=[
        pltpu.VMEM((4, 1, CPW), jnp.float32),
        pltpu.VMEM((1, 4, CPW), jnp.float32),
        pltpu.VMEM((CPW,), jnp.int32),
        pltpu.VMEM((1, 4, CPW), jnp.float32),
        pltpu.VMEM((1, 4, CPW), jnp.float32),
    ],
)


@jax.jit
def kernel(gt_rois, rois, labels):
    rois_t = jnp.transpose(rois, (2, 0, 1))
    gt_t = jnp.transpose(gt_rois, (0, 2, 1))
    tgt_t, w_t, w2_t = _sc_call(rois_t, gt_t, labels)
    tgt = jnp.transpose(tgt_t, (0, 2, 1))
    w = jnp.transpose(w_t, (0, 2, 1))
    w2 = jnp.transpose(w2_t, (0, 2, 1))
    return tgt, w, w2

# --- scband reference (transcript-rebuilt; emitter-appended) ---
"""Pipeline reference for scband-rcnntarget-generator-53145925320994 (READ-ONLY COPY).

The authoritative reference and input builder live on the scoring server;
editing this copy changes nothing except your own understanding.
"""

import jax, jax.numpy as jnp
import numpy as np

BBOX_NORMALIZE_TARGETS_PRECOMPUTED = True
BBOX_NORMALIZE_MEANS = jnp.array([0.0, 0.0, 0.0, 0.0], dtype=jnp.float32)
BBOX_NORMALIZE_STDS = jnp.array([0.1, 0.1, 0.2, 0.2], dtype=jnp.float32)
BBOX_INSIDE_WEIGHTS = jnp.array([1.0, 1.0, 1.0, 1.0], dtype=jnp.float32)


def bbox_transform_batch(ex_rois, gt_rois):
    ex_widths = ex_rois[:, :, 2] - ex_rois[:, :, 0] + 1.0
    ex_heights = ex_rois[:, :, 3] - ex_rois[:, :, 1] + 1.0
    ex_ctr_x = ex_rois[:, :, 0] + 0.5 * ex_widths
    ex_ctr_y = ex_rois[:, :, 1] + 0.5 * ex_heights
    gt_widths = gt_rois[:, :, 2] - gt_rois[:, :, 0] + 1.0
    gt_heights = gt_rois[:, :, 3] - gt_rois[:, :, 1] + 1.0
    gt_ctr_x = gt_rois[:, :, 0] + 0.5 * gt_widths
    gt_ctr_y = gt_rois[:, :, 1] + 0.5 * gt_heights
    targets_dx = (gt_ctr_x - ex_ctr_x) / ex_widths
    targets_dy = (gt_ctr_y - ex_ctr_y) / ex_heights
    targets_dw = jnp.log(gt_widths / ex_widths)
    targets_dh = jnp.log(gt_heights / ex_heights)
    return jnp.stack([targets_dx, targets_dy, targets_dw, targets_dh], axis=2)


def setup_inputs(seed: int = 0):
    key = jax.random.key(seed)
    k1, k2, k3, k4, k5, k6, k7 = jax.random.split(key, 7)
    B, N = 1, 20000
    x1 = jax.random.uniform(k1, (B, N)) * 800.0
    y1 = jax.random.uniform(k2, (B, N)) * 800.0
    w = jax.random.uniform(k3, (B, N)) * 200.0 + 16.0
    h = jax.random.uniform(k4, (B, N)) * 200.0 + 16.0
    roi_boxes = jnp.stack([x1, y1, x1 + w, y1 + h], axis=2)
    batch_idx = jnp.zeros((B, N, 1), dtype=jnp.float32)
    rois = jnp.concatenate([batch_idx, roi_boxes], axis=2).astype(jnp.float32)
    dxy = jax.random.normal(k6, (B, N, 2)) * 8.0
    dwh = jax.random.normal(k7, (B, N, 2)) * 0.1
    gt_x1 = x1 + dxy[:, :, 0]
    gt_y1 = y1 + dxy[:, :, 1]
    gt_w = w * jnp.exp(dwh[:, :, 0])
    gt_h = h * jnp.exp(dwh[:, :, 1])
    gt_rois = jnp.stack([gt_x1, gt_y1, gt_x1 + gt_w, gt_y1 + gt_h], axis=2).astype(jnp.float32)
    labels = jax.random.randint(k5, (N,), 0, 81).astype(jnp.int32)
    return {"gt_rois": gt_rois, "rois": rois, "labels": labels}


def reference(gt_rois, rois, labels):
    targets = bbox_transform_batch(rois[:, :, 1:5], gt_rois[:, :, :4])
    if BBOX_NORMALIZE_TARGETS_PRECOMPUTED:
        targets = (targets - BBOX_NORMALIZE_MEANS[None, None, :]) / BBOX_NORMALIZE_STDS[None, None, :]
    labels2 = labels[None, :]  # expand(1, -1) => batch_size = 1
    mask = labels2 > 0  # [1, N]
    # masked scatter of fg rows into zero-initialized target buffers
    bbox_targets = jnp.where(mask[:, :, None], targets[:1], 0.0)
    bbox_inside_weights = jnp.where(mask[:, :, None], BBOX_INSIDE_WEIGHTS[None, None, :], 0.0)
    bbox_outside_weights = (bbox_inside_weights > 0).astype(jnp.float32)
    return (bbox_targets, bbox_inside_weights, bbox_outside_weights)

if __name__ == "__main__":
    import jax
    _d = setup_inputs()
    print(jax.jit(kernel)(*tuple(_d.values())))

</pallas_src>

<mosaic_0001>
#map = affine_map<(d0, d1) -> (0, 0, 0)>
#map1 = affine_map<(d0, d1) -> (0)>
module attributes {stable_mosaic.version = 14 : i64} {
  func.func @_sc_body(%arg0: i32, %arg1: i32, %arg2: memref<5x1x20000xf32, #tpu.memory_space<hbm>>, %arg3: memref<1x4x20000xf32, #tpu.memory_space<hbm>>, %arg4: memref<20000xi32, #tpu.memory_space<hbm>>, %arg5: memref<1x4x20000xf32, #tpu.memory_space<hbm>>, %arg6: memref<1x4x20000xf32, #tpu.memory_space<hbm>>, %arg7: memref<1x4x20000xf32, #tpu.memory_space<hbm>>, %arg8: memref<4x1x640xf32, #tpu.memory_space<vmem>>, %arg9: memref<1x4x640xf32, #tpu.memory_space<vmem>>, %arg10: memref<640xi32, #tpu.memory_space<vmem>>, %arg11: memref<1x4x640xf32, #tpu.memory_space<vmem>>, %arg12: memref<1x4x640xf32, #tpu.memory_space<vmem>>) attributes {dimension_semantics = [#tpu.dimension_semantics<core_parallel>, #tpu.dimension_semantics<subcore_parallel>], iteration_bounds = array<i64: 2, 16>, scalar_prefetch = 0 : i64, scratch_operands = 5 : i64, tpu.core_type = #tpu.core_type<sc_vector_subcore>, window_params = [{transform_indices = #map}, {transform_indices = #map}, {transform_indices = #map1}, {transform_indices = #map}, {transform_indices = #map}, {transform_indices = #map}]} {
    %mul3A = arith.constant 2 : i32
    %mul3A_0 = arith.muli %arg1, %mul3A : i32
    %add3A = arith.addi %mul3A_0, %arg0 : i32
    %mul3A_1 = arith.constant 640 : i32
    %mul3A_2 = arith.muli %add3A, %mul3A_1 : i32
    %min3A = arith.constant 19456 : i32
    %min3A_3 = arith.minsi %mul3A_2, %min3A : i32
    %multiple_of3A = tpu.assume_multiple %min3A_3, 128 : i32
    "tpu.region"() ({
      %run_scoped3A = tpu.sem_alloc : memref<!tpu.dma_semaphore, #tpu.memory_space<semaphore_mem>>
      %dma_start3A = arith.constant 0 : i32
      %dma_start3A_9 = arith.constant 0 : i32
      %dma_start3A_10 = arith.constant 0 : i32
      %dma_start3A_11 = tpu.memref_slice %arg8[%dma_start3A, %dma_start3A_9, %dma_start3A_10] : memref<4x1x640xf32, #tpu.memory_space<vmem>> -> memref<4x1x640xf32, #tpu.memory_space<vmem>>
      %dma_start3A_12 = arith.constant 1 : i32
      %dma_start3A_13 = arith.constant 0 : i32
      %dma_start3A_14 = tpu.memref_slice %arg2[%dma_start3A_12, %dma_start3A_13, %multiple_of3A] : memref<5x1x20000xf32, #tpu.memory_space<hbm>> -> memref<4x1x640xf32, #tpu.memory_space<hbm>>
      %dma_start3A_15 = arith.constant 0 : i32
      %dma_start3A_16 = arith.constant 0 : i32
      %dma_start3A_17 = arith.constant 0 : i32
      %dma_start3A_18 = tpu.memref_slice %arg8[%dma_start3A_15, %dma_start3A_16, %dma_start3A_17] : memref<4x1x640xf32, #tpu.memory_space<vmem>> -> memref<4x1x640xf32, #tpu.memory_space<vmem>>
      %dma_start3A_19 = arith.constant 1 : i32
      %dma_start3A_20 = arith.constant 0 : i32
      %dma_start3A_21 = tpu.memref_slice %arg2[%dma_start3A_19, %dma_start3A_20, %multiple_of3A] : memref<5x1x20000xf32, #tpu.memory_space<hbm>> -> memref<4x1x640xf32, #tpu.memory_space<hbm>>
      tpu.enqueue_dma source(%dma_start3A_21 : memref<4x1x640xf32, #tpu.memory_space<hbm>>) target(%dma_start3A_18 : memref<4x1x640xf32, #tpu.memory_space<vmem>>) target_semaphore(%run_scoped3A : memref<!tpu.dma_semaphore, #tpu.memory_space<semaphore_mem>>)
      %dma_wait3A = arith.constant 0 : i32
      %dma_wait3A_22 = arith.constant 0 : i32
      %dma_wait3A_23 = arith.constant 0 : i32
      %dma_wait3A_24 = tpu.memref_slice %arg8[%dma_wait3A, %dma_wait3A_22, %dma_wait3A_23] : memref<4x1x640xf32, #tpu.memory_space<vmem>> -> memref<4x1x640xf32, #tpu.memory_space<vmem>>
      %dma_wait3A_25 = arith.constant 1 : i32
      %dma_wait3A_26 = arith.constant 0 : i32
      %dma_wait3A_27 = tpu.memref_slice %arg2[%dma_wait3A_25, %dma_wait3A_26, %multiple_of3A] : memref<5x1x20000xf32, #tpu.memory_space<hbm>> -> memref<4x1x640xf32, #tpu.memory_space<hbm>>
      %dma_wait3A_28 = arith.constant 0 : i32
      %dma_wait3A_29 = arith.constant 0 : i32
      %dma_wait3A_30 = arith.constant 0 : i32
      %dma_wait3A_31 = tpu.memref_slice %arg8[%dma_wait3A_28, %dma_wait3A_29, %dma_wait3A_30] : memref<4x1x640xf32, #tpu.memory_space<vmem>> -> memref<4x1x640xf32, #tpu.memory_space<vmem>>
      %dma_wait3A_32 = arith.constant 1 : i32
      %dma_wait3A_33 = arith.constant 0 : i32
      %dma_wait3A_34 = tpu.memref_slice %arg2[%dma_wait3A_32, %dma_wait3A_33, %multiple_of3A] : memref<5x1x20000xf32, #tpu.memory_space<hbm>> -> memref<4x1x640xf32, #tpu.memory_space<hbm>>
      tpu.wait_dma2 semaphore(%run_scoped3A : memref<!tpu.dma_semaphore, #tpu.memory_space<semaphore_mem>>) src(%dma_wait3A_34 : memref<4x1x640xf32, #tpu.memory_space<hbm>>) dst(%dma_wait3A_31 : memref<4x1x640xf32, #tpu.memory_space<vmem>>)
      tpu.yield
    }) : () -> ()
    "tpu.region"() ({
      %run_scoped3A = tpu.sem_alloc : memref<!tpu.dma_semaphore, #tpu.memory_space<semaphore_mem>>
      %dma_start3A = arith.constant 0 : i32
      %dma_start3A_9 = arith.constant 0 : i32
      %dma_start3A_10 = arith.constant 0 : i32
      %dma_start3A_11 = tpu.memref_slice %arg9[%dma_start3A, %dma_start3A_9, %dma_start3A_10] : memref<1x4x640xf32, #tpu.memory_space<vmem>> -> memref<1x4x640xf32, #tpu.memory_space<vmem>>
      %dma_start3A_12 = arith.constant 0 : i32
      %dma_start3A_13 = arith.constant 0 : i32
      %dma_start3A_14 = tpu.memref_slice %arg3[%dma_start3A_12, %dma_start3A_13, %multiple_of3A] : memref<1x4x20000xf32, #tpu.memory_space<hbm>> -> memref<1x4x640xf32, #tpu.memory_space<hbm>>
      %dma_start3A_15 = arith.constant 0 : i32
      %dma_start3A_16 = arith.constant 0 : i32
      %dma_start3A_17 = arith.constant 0 : i32
      %dma_start3A_18 = tpu.memref_slice %arg9[%dma_start3A_15, %dma_start3A_16, %dma_start3A_17] : memref<1x4x640xf32, #tpu.memory_space<vmem>> -> memref<1x4x640xf32, #tpu.memory_space<vmem>>
      %dma_start3A_19 = arith.constant 0 : i32
      %dma_start3A_20 = arith.constant 0 : i32
      %dma_start3A_21 = tpu.memref_slice %arg3[%dma_start3A_19, %dma_start3A_20, %multiple_of3A] : memref<1x4x20000xf32, #tpu.memory_space<hbm>> -> memref<1x4x640xf32, #tpu.memory_space<hbm>>
      tpu.enqueue_dma source(%dma_start3A_21 : memref<1x4x640xf32, #tpu.memory_space<hbm>>) target(%dma_start3A_18 : memref<1x4x640xf32, #tpu.memory_space<vmem>>) target_semaphore(%run_scoped3A : memref<!tpu.dma_semaphore, #tpu.memory_space<semaphore_mem>>)
      %dma_wait3A = arith.constant 0 : i32
      %dma_wait3A_22 = arith.constant 0 : i32
      %dma_wait3A_23 = arith.constant 0 : i32
      %dma_wait3A_24 = tpu.memref_slice %arg9[%dma_wait3A, %dma_wait3A_22, %dma_wait3A_23] : memref<1x4x640xf32, #tpu.memory_space<vmem>> -> memref<1x4x640xf32, #tpu.memory_space<vmem>>
      %dma_wait3A_25 = arith.constant 0 : i32
      %dma_wait3A_26 = arith.constant 0 : i32
      %dma_wait3A_27 = tpu.memref_slice %arg3[%dma_wait3A_25, %dma_wait3A_26, %multiple_of3A] : memref<1x4x20000xf32, #tpu.memory_space<hbm>> -> memref<1x4x640xf32, #tpu.memory_space<hbm>>
      %dma_wait3A_28 = arith.constant 0 : i32
      %dma_wait3A_29 = arith.constant 0 : i32
      %dma_wait3A_30 = arith.constant 0 : i32
      %dma_wait3A_31 = tpu.memref_slice %arg9[%dma_wait3A_28, %dma_wait3A_29, %dma_wait3A_30] : memref<1x4x640xf32, #tpu.memory_space<vmem>> -> memref<1x4x640xf32, #tpu.memory_space<vmem>>
      %dma_wait3A_32 = arith.constant 0 : i32
      %dma_wait3A_33 = arith.constant 0 : i32
      %dma_wait3A_34 = tpu.memref_slice %arg3[%dma_wait3A_32, %dma_wait3A_33, %multiple_of3A] : memref<1x4x20000xf32, #tpu.memory_space<hbm>> -> memref<1x4x640xf32, #tpu.memory_space<hbm>>
      tpu.wait_dma2 semaphore(%run_scoped3A : memref<!tpu.dma_semaphore, #tpu.memory_space<semaphore_mem>>) src(%dma_wait3A_34 : memref<1x4x640xf32, #tpu.memory_space<hbm>>) dst(%dma_wait3A_31 : memref<1x4x640xf32, #tpu.memory_space<vmem>>)
      tpu.yield
    }) : () -> ()
    "tpu.region"() ({
      %run_scoped3A = tpu.sem_alloc : memref<!tpu.dma_semaphore, #tpu.memory_space<semaphore_mem>>
      %dma_start3A = arith.constant 0 : i32
      %dma_start3A_9 = tpu.memref_slice %arg10[%dma_start3A] : memref<640xi32, #tpu.memory_space<vmem>> -> memref<640xi32, #tpu.memory_space<vmem>>
      %dma_start3A_10 = tpu.memref_slice %arg4[%multiple_of3A] : memref<20000xi32, #tpu.memory_space<hbm>> -> memref<640xi32, #tpu.memory_space<hbm>>
      %dma_start3A_11 = arith.constant 0 : i32
      %dma_start3A_12 = tpu.memref_slice %arg10[%dma_start3A_11] : memref<640xi32, #tpu.memory_space<vmem>> -> memref<640xi32, #tpu.memory_space<vmem>>
      %dma_start3A_13 = tpu.memref_slice %arg4[%multiple_of3A] : memref<20000xi32, #tpu.memory_space<hbm>> -> memref<640xi32, #tpu.memory_space<hbm>>
      tpu.enqueue_dma source(%dma_start3A_13 : memref<640xi32, #tpu.memory_space<hbm>>) target(%dma_start3A_12 : memref<640xi32, #tpu.memory_space<vmem>>) target_semaphore(%run_scoped3A : memref<!tpu.dma_semaphore, #tpu.memory_space<semaphore_mem>>)
      %dma_wait3A = arith.constant 0 : i32
      %dma_wait3A_14 = tpu.memref_slice %arg10[%dma_wait3A] : memref<640xi32, #tpu.memory_space<vmem>> -> memref<640xi32, #tpu.memory_space<vmem>>
      %dma_wait3A_15 = tpu.memref_slice %arg4[%multiple_of3A] : memref<20000xi32, #tpu.memory_space<hbm>> -> memref<640xi32, #tpu.memory_space<hbm>>
      %dma_wait3A_16 = arith.constant 0 : i32
      %dma_wait3A_17 = tpu.memref_slice %arg10[%dma_wait3A_16] : memref<640xi32, #tpu.memory_space<vmem>> -> memref<640xi32, #tpu.memory_space<vmem>>
      %dma_wait3A_18 = tpu.memref_slice %arg4[%multiple_of3A] : memref<20000xi32, #tpu.memory_space<hbm>> -> memref<640xi32, #tpu.memory_space<hbm>>
      tpu.wait_dma2 semaphore(%run_scoped3A : memref<!tpu.dma_semaphore, #tpu.memory_space<semaphore_mem>>) src(%dma_wait3A_18 : memref<640xi32, #tpu.memory_space<hbm>>) dst(%dma_wait3A_17 : memref<640xi32, #tpu.memory_space<vmem>>)
      tpu.yield
    }) : () -> ()
    %scan3A = arith.constant 0 : i32
    %scan3A_4 = arith.constant 0 : i32
    %scan3A_5 = arith.constant 40 : i32
    %scan3A_6 = arith.addi %scan3A_4, %scan3A_5 : i32
    %scan3A_7 = arith.constant 1 : i32
    scf.for %scan3A_9 = %scan3A_4 to %scan3A_6 step %scan3A_7  : i32 {
      %mul3A_10 = arith.constant 16 : i32
      %mul3A_11 = arith.muli %scan3A_9, %mul3A_10 : i32
      %get3A = arith.constant 0 : i32
      %get3A_12 = arith.constant 0 : i32
      %get3A_13 = arith.index_cast %get3A : i32 to index
      %get3A_14 = arith.index_cast %get3A_12 : i32 to index
      %get3A_15 = arith.index_cast %mul3A_11 : i32 to index
      %get3A_16 = tpu.vector_load %arg8[%get3A_13, %get3A_14, %get3A_15] {strides = array<i32>} : memref<4x1x640xf32, #tpu.memory_space<vmem>>, vector<16xf32>,
      %swap3A = arith.constant 0 : i32
      %swap3A_17 = arith.constant 0 : i32
      %swap3A_18 = arith.index_cast %swap3A : i32 to index
      %swap3A_19 = arith.index_cast %swap3A_17 : i32 to index
      %swap3A_20 = arith.index_cast %mul3A_11 : i32 to index
      %swap3A_21 = tpu.vector_load %arg11[%swap3A_18, %swap3A_19, %swap3A_20] {strides = array<i32>} : memref<1x4x640xf32, #tpu.memory_space<vmem>>, vector<16xf32>,
      tpu.vector_store %arg11[%swap3A_18, %swap3A_19, %swap3A_20], %get3A_16 {strides = array<i32>} : memref<1x4x640xf32, #tpu.memory_space<vmem>>, vector<16xf32>,
    }
    %scan3A_8 = arith.constant 40 : i32
    "tpu.region"() ({
      %run_scoped3A = tpu.sem_alloc : memref<!tpu.dma_semaphore, #tpu.memory_space<semaphore_mem>>
      %dma_start3A = arith.constant 0 : i32
      %dma_start3A_9 = arith.constant 0 : i32
      %dma_start3A_10 = arith.constant 0 : i32
      %dma_start3A_11 = tpu.memref_slice %arg11[%dma_start3A, %dma_start3A_9, %dma_start3A_10] : memref<1x4x640xf32, #tpu.memory_space<vmem>> -> memref<1x4x640xf32, #tpu.memory_space<vmem>>
      %dma_start3A_12 = arith.constant 0 : i32
      %dma_start3A_13 = arith.constant 0 : i32
      %dma_start3A_14 = tpu.memref_slice %arg5[%dma_start3A_12, %dma_start3A_13, %multiple_of3A] : memref<1x4x20000xf32, #tpu.memory_space<hbm>> -> memref<1x4x640xf32, #tpu.memory_space<hbm>>
      %dma_start3A_15 = arith.constant 0 : i32
      %dma_start3A_16 = arith.constant 0 : i32
      %dma_start3A_17 = tpu.memref_slice %arg5[%dma_start3A_15, %dma_start3A_16, %multiple_of3A] : memref<1x4x20000xf32, #tpu.memory_space<hbm>> -> memref<1x4x640xf32, #tpu.memory_space<hbm>>
      %dma_start3A_18 = arith.constant 0 : i32
      %dma_start3A_19 = arith.constant 0 : i32
      %dma_start3A_20 = arith.constant 0 : i32
      %dma_start3A_21 = tpu.memref_slice %arg11[%dma_start3A_18, %dma_start3A_19, %dma_start3A_20] : memref<1x4x640xf32, #tpu.memory_space<vmem>> -> memref<1x4x640xf32, #tpu.memory_space<vmem>>
      tpu.enqueue_dma source(%dma_start3A_21 : memref<1x4x640xf32, #tpu.memory_space<vmem>>) target(%dma_start3A_17 : memref<1x4x640xf32, #tpu.memory_space<hbm>>) target_semaphore(%run_scoped3A : memref<!tpu.dma_semaphore, #tpu.memory_space<semaphore_mem>>)
      %dma_wait3A = arith.constant 0 : i32
      %dma_wait3A_22 = arith.constant 0 : i32
      %dma_wait3A_23 = arith.constant 0 : i32
      %dma_wait3A_24 = tpu.memref_slice %arg11[%dma_wait3A, %dma_wait3A_22, %dma_wait3A_23] : memref<1x4x640xf32, #tpu.memory_space<vmem>> -> memref<1x4x640xf32, #tpu.memory_space<vmem>>
      %dma_wait3A_25 = arith.constant 0 : i32
      %dma_wait3A_26 = arith.constant 0 : i32
      %dma_wait3A_27 = tpu.memref_slice %arg5[%dma_wait3A_25, %dma_wait3A_26, %multiple_of3A] : memref<1x4x20000xf32, #tpu.memory_space<hbm>> -> memref<1x4x640xf32, #tpu.memory_space<hbm>>
      %dma_wait3A_28 = arith.constant 0 : i32
      %dma_wait3A_29 = arith.constant 0 : i32
      %dma_wait3A_30 = tpu.memref_slice %arg5[%dma_wait3A_28, %dma_wait3A_29, %multiple_of3A] : memref<1x4x20000xf32, #tpu.memory_space<hbm>> -> memref<1x4x640xf32, #tpu.memory_space<hbm>>
      %dma_wait3A_31 = arith.constant 0 : i32
      %dma_wait3A_32 = arith.constant 0 : i32
      %dma_wait3A_33 = arith.constant 0 : i32
      %dma_wait3A_34 = tpu.memref_slice %arg11[%dma_wait3A_31, %dma_wait3A_32, %dma_wait3A_33] : memref<1x4x640xf32, #tpu.memory_space<vmem>> -> memref<1x4x640xf32, #tpu.memory_space<vmem>>
      tpu.wait_dma2 semaphore(%run_scoped3A : memref<!tpu.dma_semaphore, #tpu.memory_space<semaphore_mem>>) src(%dma_wait3A_34 : memref<1x4x640xf32, #tpu.memory_space<vmem>>) dst(%dma_wait3A_30 : memref<1x4x640xf32, #tpu.memory_space<hbm>>)
      tpu.yield
    }) : () -> ()
    "tpu.region"() ({
      %run_scoped3A = tpu.sem_alloc : memref<!tpu.dma_semaphore, #tpu.memory_space<semaphore_mem>>
      %dma_start3A = arith.constant 0 : i32
      %dma_start3A_9 = arith.constant 0 : i32
      %dma_start3A_10 = arith.constant 0 : i32
      %dma_start3A_11 = tpu.memref_slice %arg12[%dma_start3A, %dma_start3A_9, %dma_start3A_10] : memref<1x4x640xf32, #tpu.memory_space<vmem>> -> memref<1x4x640xf32, #tpu.memory_space<vmem>>
      %dma_start3A_12 = arith.constant 0 : i32
      %dma_start3A_13 = arith.constant 0 : i32
      %dma_start3A_14 = tpu.memref_slice %arg6[%dma_start3A_12, %dma_start3A_13, %multiple_of3A] : memref<1x4x20000xf32, #tpu.memory_space<hbm>> -> memref<1x4x640xf32, #tpu.memory_space<hbm>>
      %dma_start3A_15 = arith.constant 0 : i32
      %dma_start3A_16 = arith.constant 0 : i32
      %dma_start3A_17 = tpu.memref_slice %arg6[%dma_start3A_15, %dma_start3A_16, %multiple_of3A] : memref<1x4x20000xf32, #tpu.memory_space<hbm>> -> memref<1x4x640xf32, #tpu.memory_space<hbm>>
      %dma_start3A_18 = arith.constant 0 : i32
      %dma_start3A_19 = arith.constant 0 : i32
      %dma_start3A_20 = arith.constant 0 : i32
      %dma_start3A_21 = tpu.memref_slice %arg12[%dma_start3A_18, %dma_start3A_19, %dma_start3A_20] : memref<1x4x640xf32, #tpu.memory_space<vmem>> -> memref<1x4x640xf32, #tpu.memory_space<vmem>>
      tpu.enqueue_dma source(%dma_start3A_21 : memref<1x4x640xf32, #tpu.memory_space<vmem>>) target(%dma_start3A_17 : memref<1x4x640xf32, #tpu.memory_space<hbm>>) target_semaphore(%run_scoped3A : memref<!tpu.dma_semaphore, #tpu.memory_space<semaphore_mem>>)
      %dma_wait3A = arith.constant 0 : i32
      %dma_wait3A_22 = arith.constant 0 : i32
      %dma_wait3A_23 = arith.constant 0 : i32
      %dma_wait3A_24 = tpu.memref_slice %arg12[%dma_wait3A, %dma_wait3A_22, %dma_wait3A_23] : memref<1x4x640xf32, #tpu.memory_space<vmem>> -> memref<1x4x640xf32, #tpu.memory_space<vmem>>
      %dma_wait3A_25 = arith.constant 0 : i32
      %dma_wait3A_26 = arith.constant 0 : i32
      %dma_wait3A_27 = tpu.memref_slice %arg6[%dma_wait3A_25, %dma_wait3A_26, %multiple_of3A] : memref<1x4x20000xf32, #tpu.memory_space<hbm>> -> memref<1x4x640xf32, #tpu.memory_space<hbm>>
      %dma_wait3A_28 = arith.constant 0 : i32
      %dma_wait3A_29 = arith.constant 0 : i32
      %dma_wait3A_30 = tpu.memref_slice %arg6[%dma_wait3A_28, %dma_wait3A_29, %multiple_of3A] : memref<1x4x20000xf32, #tpu.memory_space<hbm>> -> memref<1x4x640xf32, #tpu.memory_space<hbm>>
      %dma_wait3A_31 = arith.constant 0 : i32
      %dma_wait3A_32 = arith.constant 0 : i32
      %dma_wait3A_33 = arith.constant 0 : i32
      %dma_wait3A_34 = tpu.memref_slice %arg12[%dma_wait3A_31, %dma_wait3A_32, %dma_wait3A_33] : memref<1x4x640xf32, #tpu.memory_space<vmem>> -> memref<1x4x640xf32, #tpu.memory_space<vmem>>
      tpu.wait_dma2 semaphore(%run_scoped3A : memref<!tpu.dma_semaphore, #tpu.memory_space<semaphore_mem>>) src(%dma_wait3A_34 : memref<1x4x640xf32, #tpu.memory_space<vmem>>) dst(%dma_wait3A_30 : memref<1x4x640xf32, #tpu.memory_space<hbm>>)
      tpu.yield
    }) : () -> ()
    "tpu.region"() ({
      %run_scoped3A = tpu.sem_alloc : memref<!tpu.dma_semaphore, #tpu.memory_space<semaphore_mem>>
      %dma_start3A = arith.constant 0 : i32
      %dma_start3A_9 = arith.constant 0 : i32
      %dma_start3A_10 = arith.constant 0 : i32
      %dma_start3A_11 = tpu.memref_slice %arg12[%dma_start3A, %dma_start3A_9, %dma_start3A_10] : memref<1x4x640xf32, #tpu.memory_space<vmem>> -> memref<1x4x640xf32, #tpu.memory_space<vmem>>
      %dma_start3A_12 = arith.constant 0 : i32
      %dma_start3A_13 = arith.constant 0 : i32
      %dma_start3A_14 = tpu.memref_slice %arg7[%dma_start3A_12, %dma_start3A_13, %multiple_of3A] : memref<1x4x20000xf32, #tpu.memory_space<hbm>> -> memref<1x4x640xf32, #tpu.memory_space<hbm>>
      %dma_start3A_15 = arith.constant 0 : i32
      %dma_start3A_16 = arith.constant 0 : i32
      %dma_start3A_17 = tpu.memref_slice %arg7[%dma_start3A_15, %dma_start3A_16, %multiple_of3A] : memref<1x4x20000xf32, #tpu.memory_space<hbm>> -> memref<1x4x640xf32, #tpu.memory_space<hbm>>
      %dma_start3A_18 = arith.constant 0 : i32
      %dma_start3A_19 = arith.constant 0 : i32
      %dma_start3A_20 = arith.constant 0 : i32
      %dma_start3A_21 = tpu.memref_slice %arg12[%dma_start3A_18, %dma_start3A_19, %dma_start3A_20] : memref<1x4x640xf32, #tpu.memory_space<vmem>> -> memref<1x4x640xf32, #tpu.memory_space<vmem>>
      tpu.enqueue_dma source(%dma_start3A_21 : memref<1x4x640xf32, #tpu.memory_space<vmem>>) target(%dma_start3A_17 : memref<1x4x640xf32, #tpu.memory_space<hbm>>) target_semaphore(%run_scoped3A : memref<!tpu.dma_semaphore, #tpu.memory_space<semaphore_mem>>)
      %dma_wait3A = arith.constant 0 : i32
      %dma_wait3A_22 = arith.constant 0 : i32
      %dma_wait3A_23 = arith.constant 0 : i32
      %dma_wait3A_24 = tpu.memref_slice %arg12[%dma_wait3A, %dma_wait3A_22, %dma_wait3A_23] : memref<1x4x640xf32, #tpu.memory_space<vmem>> -> memref<1x4x640xf32, #tpu.memory_space<vmem>>
      %dma_wait3A_25 = arith.constant 0 : i32
      %dma_wait3A_26 = arith.constant 0 : i32
      %dma_wait3A_27 = tpu.memref_slice %arg7[%dma_wait3A_25, %dma_wait3A_26, %multiple_of3A] : memref<1x4x20000xf32, #tpu.memory_space<hbm>> -> memref<1x4x640xf32, #tpu.memory_space<hbm>>
      %dma_wait3A_28 = arith.constant 0 : i32
      %dma_wait3A_29 = arith.constant 0 : i32
      %dma_wait3A_30 = tpu.memref_slice %arg7[%dma_wait3A_28, %dma_wait3A_29, %multiple_of3A] : memref<1x4x20000xf32, #tpu.memory_space<hbm>> -> memref<1x4x640xf32, #tpu.memory_space<hbm>>
      %dma_wait3A_31 = arith.constant 0 : i32
      %dma_wait3A_32 = arith.constant 0 : i32
      %dma_wait3A_33 = arith.constant 0 : i32
      %dma_wait3A_34 = tpu.memref_slice %arg12[%dma_wait3A_31, %dma_wait3A_32, %dma_wait3A_33] : memref<1x4x640xf32, #tpu.memory_space<vmem>> -> memref<1x4x640xf32, #tpu.memory_space<vmem>>
      tpu.wait_dma2 semaphore(%run_scoped3A : memref<!tpu.dma_semaphore, #tpu.memory_space<semaphore_mem>>) src(%dma_wait3A_34 : memref<1x4x640xf32, #tpu.memory_space<vmem>>) dst(%dma_wait3A_30 : memref<1x4x640xf32, #tpu.memory_space<hbm>>)
      tpu.yield
    }) : () -> ()
    return
  }
}

</mosaic_0001>

<sc_bundles>
// kernel: kernel.3.cloned.1.call-start
scs
__scs_entry_jumppad:
0x0: {  	(pc) =	sbr.rel $0x88, $3  }
0x1: {  	(tag) =	ssettag $0x0;
	lr =	simm.s32 $0x1  }
0x2: {  	[smem:$0x3F9E] =	sst lr;
	_ =	strace $0xD0000000  }
0x3: {  	_ = 	snop  }
0x4: {  	_ = 	snop  }
0x5: {  	_ = 	snop  }
0x6: {  	_ = 	snop  }
0x7: {  	_ = 	snop  }
__scs_overlays_trampoline_lowered:
0x8: {  	[smem:$0x3FAD] =	sst s0  }
0x9: {  	[smem:$0x3FAE] =	sst s1  }
0xa: {  	[smem:$0x3FAF] =	sst s2  }
0xb: {  	[smem:$0x3FB0] =	sst s3  }
0xc: {  	[smem:$0x3FB1] =	sst s4  }
0xd: {  	[smem:$0x3FB2] =	sst s5  }
0xe: {  	[smem:$0x3FB3] =	sst s6  }
0xf: {  	[smem:$0x3FB4] =	sst s7  }
0x10: {  	[smem:$0x3FB5] =	sst s8  }
0x11: {  	[smem:$0x3FB6] =	sst s9;
	s0 =	simm.s32 @!p0 $0x0  }
0x12: {  	s1 =	sld [smem:$0x3F9C];
	s0 =	simm.s32 @p0 $0x1  }
0x13: {  	[smem:$0x3FB7] =	sst s0;
	s0 =	simm.s32 @!p1 $0x0  }
0x14: {  	s2 =	sld [smem:$0x3F9B];
	s0 =	simm.s32 @p1 $0x1  }
0x15: {  	[smem:$0x3FB8] =	sst s0;
	s0 =	simm.s32 @!p2 $0x0  }
0x16: {  	s3 =	sld [smem:$0x3FDB];
	s0 =	simm.s32 @p2 $0x1  }
0x17: {  	s4 =	simm.s32 $0x1BF5;
	[smem:$0x3FBA] =	sst s0  }
0x18: {  	s0 =	sld [smem:$0x3F9D];
	_ =	swait.ge [sflag:s4], $0x0  }
0x19: {  	s7 =	sld [smem:$0x3F9E]  }
0x1a: {  	s8 =	sadd.s32 $0xFFFFE003, lr  }
0x1b: {  	s9 =	sadd.s32 $0xFFFFFEF7, lr;
	s5 =	simm.s32 $0xFFFFFFFF;
	p2 =	slt.u32 s8, $0xFFFFF086  }
0x1c: {  	p1 =	slt.u32 s9, $0xF7A;
	s5 =	simm.s32 @!p2 $0x0  }
0x1d: {  	s5 =	simm.s32 @p1 $0x1;
	p0 =	seq.s32 s7, s2  }
0x1e: {  	s7 =	smul.u32 @!p0 $0xF7A, s2;
	p2 =	seq.s32 @!p0 s5, $0x0  }
0x1f: {  	s9 =	smul.u32 $0xF7A, s1;
	s8 =	simm.s32 @!p0 $0x1BF5;
	p2 =	por !p2, p0  }
0x20: {  	[sflag:s8] =	ssyncset.s32 @!p0 $0xFFFFF086;
	s6 =	sadd.s32 @!p0 s3, s7;
	s7 =	simm.s32 @!p0 $0x108  }
0x21: {  	s3 =	sadd.s32 s3, s9;
	s6 =	sadd.s32 @!p0 $0x88, s6;
	s7 =	simm.s32 @p2 $0x1082  }
0x22: {  	[simem:s7], [sflag:s8] =	dma.local @!p0 [hbm:s6], $0xF7A  }
0x23: {  	s9 =	sor.u32 $0xD0000000, s2;
	s6 =	simm.s32 $0x108;
	_ =	swait.ge @!p0 [sflag:s8], $0x0  }
0x24: {  	s3 =	sadd.s32 $0x88, s3;
	s6 =	simm.s32 @!p1 $0x1082;
	[sflag:s4] =	ssyncset.s32 $0xFFFFF086  }
0x25: {  	[simem:s6], [sflag:s4] =	dma.local [hbm:s3], $0xF7A  }
0x26: {  	[smem:$0x3F9E] =	sst s1;
	(tag) =	ssettag s2;
	_ =	strace s9  }
0x27: {  	s1 =	sld [smem:$0x3FAE]  }
0x28: {  	s2 =	sld [smem:$0x3FAF]  }
0x29: {  	s4 =	sld [smem:$0x3FB1]  }
0x2a: {  	p0 =	seq.s32 s5, $0x0;
	s5 =	sld [smem:$0x3FB2]  }
0x2b: {  	s6 =	sld [smem:$0x3FB3]  }
0x2c: {  	s7 =	sld [smem:$0x3FB4]  }
0x2d: {  	s3 =	simm.s32 $0x108;
	s8 =	sld [smem:$0x3FB5]  }
0x2e: {  	s3 =	simm.s32 @!p0 $0x1082;
	s9 =	sld [smem:$0x3FB6]  }
0x2f: {  	lr =	sadd.s32 s0, s3;
	s0 =	sld [smem:$0x3FAD]  }
0x30: {  	s3 =	sld [smem:$0x3FB0]  }
0x31: {  	[smem:$0x3FB9] =	sst s10  }
0x32: {  	s10 =	sld [smem:$0x3FB7];
	_ =	sdelay $0x3  }
0x33: {  	p0 =	seq.s32 s10, $0x1;
	s10 =	sld [smem:$0x3FB9];
	_ =	sdelay $0x3  }
0x34: {  	[smem:$0x3FB9] =	sst s10  }
0x35: {  	s10 =	sld [smem:$0x3FB8];
	_ =	sdelay $0x3  }
0x36: {  	p1 =	seq.s32 s10, $0x1;
	s10 =	sld [smem:$0x3FB9];
	_ =	sdelay $0x3  }
0x37: {  	[smem:$0x3FB9] =	sst s10  }
0x38: {  	s10 =	sld [smem:$0x3FBA]  }
0x39: {  	_ = 	snop;
	(pc) =	sbr.ind lr, $3  }
0x3a: {  	_ = 	snop  }
0x3b: {  	_ = 	snop  }
0x3c: {  	p2 =	seq.s32 s10, $0x1;
	s10 =	sld [smem:$0x3FB9]  }
0x3d: {  	_ =	shalt  }
0x3e: {  	_ =	shalt  }
0x3f: {  	_ =	shalt  }
0x40: {  	_ =	shalt  }
0x41: {  	_ =	shalt  }
0x42: {  	_ =	shalt  }
0x43: {  	_ =	shalt  }
0x44: {  	_ =	shalt  }
0x45: {  	_ =	shalt  }
0x46: {  	_ =	shalt  }
0x47: {  	_ =	shalt  }
0x48: {  	_ =	shalt  }
0x49: {  	_ =	shalt  }
0x4a: {  	_ =	shalt  }
0x4b: {  	_ =	shalt  }
0x4c: {  	_ =	shalt  }
0x4d: {  	_ =	shalt  }
0x4e: {  	_ =	shalt  }
0x4f: {  	_ =	shalt  }
0x50: {  	_ =	shalt  }
0x51: {  	_ =	shalt  }
0x52: {  	_ =	shalt  }
0x53: {  	_ =	shalt  }
0x54: {  	_ =	shalt  }
0x55: {  	_ =	shalt  }
0x56: {  	_ =	shalt  }
0x57: {  	_ =	shalt  }
0x58: {  	_ =	shalt  }
0x59: {  	_ =	shalt  }
0x5a: {  	_ =	shalt  }
0x5b: {  	_ =	shalt  }
0x5c: {  	_ =	shalt  }
0x5d: {  	_ =	shalt  }
0x5e: {  	_ =	shalt  }
0x5f: {  	_ =	shalt  }
0x60: {  	_ =	shalt  }
0x61: {  	_ =	shalt  }
0x62: {  	_ =	shalt  }
0x63: {  	_ =	shalt  }
0x64: {  	_ =	shalt  }
0x65: {  	_ =	shalt  }
0x66: {  	_ =	shalt  }
0x67: {  	_ =	shalt  }
0x68: {  	_ =	shalt  }
0x69: {  	_ =	shalt  }
0x6a: {  	_ =	shalt  }
0x6b: {  	_ =	shalt  }
0x6c: {  	_ =	shalt  }
0x6d: {  	_ =	shalt  }
0x6e: {  	_ =	shalt  }
0x6f: {  	_ =	shalt  }
0x70: {  	_ =	shalt  }
0x71: {  	_ =	shalt  }
0x72: {  	_ =	shalt  }
0x73: {  	_ =	shalt  }
0x74: {  	_ =	shalt  }
0x75: {  	_ =	shalt  }
0x76: {  	_ =	shalt  }
0x77: {  	_ =	shalt  }
0x78: {  	_ =	shalt  }
0x79: {  	_ =	shalt  }
0x7a: {  	_ =	shalt  }
0x7b: {  	_ =	shalt  }
0x7c: {  	_ =	shalt  }
0x7d: {  	_ =	shalt  }
0x7e: {  	_ =	shalt  }
0x7f: {  	_ =	shalt  }
0x80: {  	_ =	shalt  }
0x81: {  	_ =	shalt  }
0x82: {  	_ =	shalt  }
0x83: {  	_ =	shalt  }
0x84: {  	_ =	shalt  }
0x85: {  	_ =	shalt  }
0x86: {  	_ =	shalt  }
0x87: {  	_ =	shalt  }
.Lfunc_end0:
.L_simem_size_0:
called_computation_lowered:
.L_overlay_start_0:
0x88: {  	s2 =	sld [smem:$0x3FD9]  }
0x89: {  	s3 =	sld [smem:$0x3FFE];
	_ =	sdelay $0x1  }
0x8a: {  	s1 =	srdreg.scid  }
0x8b: {  	s0 =	sand.u32 $0x1, s1  }
0x8c: {  	s15 =	sshll.u32 s0, $0xA;
	s2 =	sadd.s32 s3, s2  }
0x8d: {  	s2 =	sadd.s32 s2, s15  }
0x8e: {  	[smem:$0x3FC5] =	sst s2  }
0x8f: {  	_ = 	snop  }
0x90: {  	s2 =	sld [smem:$0x3FD0]  }
0x91: {  	s16 =	sld [smem:$0x3FC9]  }
0x92: {  	s4 =	sld [smem:$0x3FC8]  }
0x93: {  	s6 =	simm.s32 $0xA;
	s7 =	simm.s32 $0x10;
	s5 =	sld [smem:$0x3FC7]  }
0x94: {  	[smem:s7], [sflag:s6] =	dma.local [hbm:s2], $0x1  }
0x95: {  	_ =	swait.eq [sflag:s6], $0x1  }
0x96: {  	s17 =	sld [smem:$0x10];
	[sflag:s6] =	ssyncset.done $0x0  }
0x97: {  	s18 =	sld [smem:$0x11];
	[sflag:s6] =	ssyncadd.s32 $0xFFFFFFFF  }
0x98: {  	s19 =	sld [smem:$0x12];
	(tm) =	ssettm $0x1  }
0x99: {  	s8 =	sld [smem:$0x3FFB];
	_ =	sdelay $0x3  }
0x9a: {  	_ =	strace s8  }
0x9b: {  	s8 =	sld [smem:$0x3FFC];
	_ =	sdelay $0x3  }
0x9c: {  	_ =	strace s8  }
0x9d: {  	s8 =	sld [smem:$0x3FFD];
	_ =	sdelay $0x3  }
0x9e: {  	_ =	strace s8  }
0x9f: {  	_ =	strace $0x8FFFFFFF  }
0xa0: {  	s20 =	sld [smem:$0x3FDB];
	_ =	sdelay $0x1  }
0xa1: {  	s9 =	simm.s32 $_scs_section_size  }
0xa2: {  	s10 =	simm.s32 $_size__tile_overlayer_lowered;
	s11 =	simm.s32 $_tile_overlayer_lowered  }
0xa3: {  	s23 =	simm.s32 $0x1BFF;
	s22 =	sshll.u32 s11, $0x1;
	s8 =	sadd.s32 s9, s20  }
0xa4: {  	s12 =	simm.s32 $0x0;
	s21 =	sshll.u32 s10, $0x1;
	s10 =	sadd.s32 s22, s8  }
0xa5: {  	[timem:s12], [sflag:s23] =	dma.local [hbm:s10], s21  }
0xa6: {  	_ =	swait.ge [sflag:s23], s21  }
0xa7: {  	s9 =	ssub.s32 $0x0, s21;
	[sflag:s23] =	ssyncset.done $0x0  }
0xa8: {  	[sflag:s23] =	ssyncadd.s32 s9;
	_ =	sdelay $0x1  }
0xa9: {  	s24 =	simm.s32 $0x1B8B  }
0xaa: {  	_ =	swait.ge [sflag:s24], $0x1  }
0xab: {  	[sflag:s24] =	ssyncset.done $0x0  }
0xac: {  	s25 =	simm.s32 $0x1B8E;
	[sflag:s24] =	ssyncadd.s32 $0xFFFFFFFF  }
0xad: {  	s26 =	simm.s32 $execute0_lowered;
	[smem:$0x3FD2] =	sst s25  }
0xae: {  	s9 =	sshll.u32 s26, $0x1;
	_ =	strace $0x80000046;
	[dreg:$0x1] =	wrdreg $0xFFFFFFFF  }
0xaf: {  	s28 =	simm.s32 $_size_execute0_lowered;
	s8 =	sadd.s32 s8, s9;
	[dreg:$0x0] =	wrdreg $0x0  }
0xb0: {  	s9 =	sshll.u32 s28, $0x1;
	[dreg:$0x2] =	wrdreg s8  }
0xb1: {  	[dreg:$0x3] =	wrdreg s9  }
0xb2: {  	[dreg:$0x4] =	wrdreg $0xC0  }
0xb3: {  	_ =	task [dreg:s12], $0x5FFFF  }
0xb4: {  	[dreg:$0x1] =	wrdreg $0xFFFFFFFF  }
0xb5: {  	[dreg:$0x0] =	wrdreg $0x60  }
0xb6: {  	[dreg:$0x2] =	wrdreg s4  }
0xb7: {  	[dreg:$0x3] =	wrdreg s16  }
0xb8: {  	[dreg:$0x4] =	wrdreg s5  }
0xb9: {  	[dreg:$0x5] =	wrdreg s17  }
0xba: {  	[dreg:$0x6] =	wrdreg s18  }
0xbb: {  	[dreg:$0x7] =	wrdreg s19  }
0xbc: {  	[dreg:$0x8] =	wrdreg $0x9  }
0xbd: {  	_ =	task.clear_ibuf [dreg:s12], $0x9FFFF;
	_ =	strace $0x90000046  }
0xbe: {  	s29 =	simm.s32 $0x9;
	_ =	strace $0x80000048  }
0xbf: {  	_ =	swait.ge [sflag:s29], $0x1  }
0xc0: {  	[sflag:s29] =	ssyncadd.s32 $0xFFFFFFFF  }
0xc1: {  	_ =	strace $0x90000048  }
0xc2: {  	_ =	sfence  }
0xc3: {  	s30 =	sld [smem:$0x0];
	_ =	sdelay $0x2  }
0xc4: {  	s31 =	sshll.u32 s1, $0xD;
	s1 =	sshrl.u32 s1, $0x2  }
0xc5: {  	s3 =	sand.u32 $0x4000, s31;
	s1 =	sadd.s32 s1, s30  }
0xc6: {  	s0 =	sor.u32 s3, s0;
	s1 =	sshll.u32 s1, $0x11  }
0xc7: {  	s0 =	sor.u32 s1, s0  }
0xc8: {  	s0 =	sadd.s32 $0x8F2B, s0  }
0xc9: {  	[sflag:s0] =	ssyncadd.remote.s32 $0x1  }
0xca: {  	_ =	sfence.sel $0xFFFF  }
0xcb: {  	[dreg:$0x0] =	wrdreg $0xFFFFFFFF;
	(pc) =	sbr.abs _section_cstart, $3  }
0xcc: {  	[dreg:$0x1] =	wrdreg $0xFFFFFFFF  }
0xcd: {  	_ =	task.clear_ibuf [dreg:s12], $0x2FFFF;
	_ =	strace $0x9FFFFFFF  }
0xce: {  	(tm) =	ssettm $0x7FFFFFFF  }
0xcf: {  	_ =	shalt  }
tec
execute0_lowered:
.L_overlay_start_1:
0x0: {  	(tag) =	ssettag $0x1  }
0x1: {  	s3 =	rddreg [dreg:$0x0]  }
0x2: {  	s4 =	rddreg [dreg:$0x1]  }
0x3: {  	s5 =	rddreg [dreg:$0x2]  }
0x4: {  	s6 =	rddreg [dreg:$0x3]  }
0x5: {  	s1 =	srdreg.scid;
	s8 =	rddreg [dreg:$0x4]  }
0x6: {  	s0 =	stileid.u32;
	s9 =	rddreg [dreg:$0x5]  }
0x7: {  	s2 =	simm.s32 $0x0;
	s7 =	sand.u32 $0x1, s1;
	s31 =	sshll.u32 s0, $0x1  }
0x8: {  	s13 =	simm.s32 $0xA00;
	s14 =	simm.s32 $0x1400;
	s1 =	sor.u32 s7, s31  }
0x9: {  	s15 =	simm.s32 $0x1680;
	s16 =	simm.s32 $0x2080;
	s10 =	smul.u32 $0x280, s1  }
0xa: {  	s17 =	simm.s32 $0x0;
	[smem:$0x7FF] =	sst s2;
	s7 =	ssub.s32 $0x2, s7  }
0xb: {  	s1 =	rddreg [dreg:$0x6];
	_ =	strace $0x80000047;
	s10 =	smin.u32 s10, $0x4C00  }
0xc: {  	s11 =	sshrl.u32 s7, $0x1;
	s12 =	sshrl.u32 s10, $0x3;
	s10 =	sshrl.u32 s10, $0x1  }
0xd: {  	s11 =	ssub.s32 s7, s11;
	s3 =	sadd.s32 s3, s12;
	s4 =	sadd.s32 s4, s10  }
0xe: {  	s5 =	sadd.s32 s5, s12;
	s6 =	sadd.s32 s6, s10;
	s7 =	sadd.s32 s8, s10  }
0xf: {  	s8 =	sadd.s32 s9, s10;
	s9 =	smax.u32 s11, $0x1;
	s10 =	simm.s32 $0x280  }
0x10: {  	s11 =	simm.s32 $0x4E80;
	s12 =	simm.s32 $0x1;
	s3 =	sadd.s32 $0x9D0, s3  }
.LBB2_1:
0x11: {  	[tilespmem:s2], [sflag:$0x1] =	stream.strided.gather [hbm4b:s3+s10], $0xA00, s11, s10, $0x38;
	[tilespmem:$0x2A80] =	vst v63  }
0x12: {  	_ =	swait.ge [sflag:s12], $0xA00  }
0x13: {  	[sflag:s12] =	ssyncset.done $0x0  }
0x14: {  	[sflag:s12] =	ssyncadd.s32 $0xFFFFF600  }
0x15: {  	[tilespmem:s13], [sflag:$0x1] =	stream.linear.gather [hbm4b:s4+s2], $0xA00, $0x38;
	[tilespmem:$0x2A80] =	vst v63  }
0x16: {  	_ =	swait.ge [sflag:s12], $0xA00  }
0x17: {  	[sflag:s12] =	ssyncset.done $0x0  }
0x18: {  	[sflag:s12] =	ssyncadd.s32 $0xFFFFF600  }
0x19: {  	[tilespmem:s14], [sflag:$0x1] =	stream.linear.gather [hbm4b:s5+s2], $0x280, $0x38;
	[tilespmem:$0x2A80] =	vst v63  }
0x1a: {  	_ =	swait.ge [sflag:s12], $0x280  }
0x1b: {  	[sflag:s12] =	ssyncset.done $0x0  }
0x1c: {  	s18 =	simm.s32 $0x0;
	[sflag:s12] =	ssyncadd.s32 $0xFFFFFD80  }
0x1d: {  	v0 =	vld [tilespmem:s18+$0x0];
	_ =	sdelay $0x1  }
0x1e: {  	s19 =	sand.u32 $0x70, s2;
	s20 =	sand.u32 $0xE00, s2  }
0x1f: {  	s20 =	sor.u32 s19, s20;
	s19 =	simm.s32 $0x40;
	s18 =	simm.s32 $0x10  }
.LBB2_2:
0x20: {  	s21 =	sshra.s32 s19, $0x2  }
0x21: {  	p0 =	sne.s32 s18, $0x270;
	[tilespmem:s20+$0x1680] =	vst v0;
	s20 =	smov.u32 s18;
	s18 =	sadd.s32 $0x10, s18  }
.Ltmp0:
0x22: {  	v0 =	vld [tilespmem:s21+$0x0];
	(pc) =	sbr.rel @p0 .LBB2_2-.Ltmp0, $3  }
0x23: {  	_ =	sdelay $0x1  }
0x24: {  	s20 =	sand.u32 $0x70, s20;
	s21 =	sand.u32 $0xE00, s19  }
0x25: {  	s19 =	sadd.s32 $0x40, s19;
	s20 =	sor.u32 s20, s21  }
0x26: {  	[tilespmem:s20+$0x1680] =	vst v0  }
0x27: {  	[hbm4b:s6+s2] =	stream.linear.scatter [tilespmem:s15], [sflag:$0x1], $0xA00, $0x38;
	[tilespmem:$0x2A80] =	vst v63  }
0x28: {  	_ =	swait.ge [sflag:s12], $0xA00  }
0x29: {  	[sflag:s12] =	ssyncset.done $0x0  }
0x2a: {  	[sflag:s12] =	ssyncadd.s32 $0xFFFFF600  }
0x2b: {  	[hbm4b:s7+s2] =	stream.linear.scatter [tilespmem:s16], [sflag:$0x1], $0xA00, $0x38;
	[tilespmem:$0x2A80] =	vst v63  }
0x2c: {  	s17 =	sadd.s32 $0x1, s17;
	_ =	swait.ge [sflag:s12], $0xA00  }
0x2d: {  	p0 =	sne.s32 s17, s9;
	[sflag:s12] =	ssyncset.done $0x0  }
.Ltmp1:
0x2e: {  	[sflag:s12] =	ssyncadd.s32 $0xFFFFF600;
	(pc) =	sbr.rel @p0 .LBB2_1-.Ltmp1, $4  }
0x2f: {  	[hbm4b:s8+s2] =	stream.linear.scatter [tilespmem:s16], [sflag:$0x1], $0xA00, $0x38;
	[tilespmem:$0x2A80] =	vst v63  }
0x30: {  	_ =	swait.ge [sflag:s12], $0xA00  }
0x31: {  	[sflag:s12] =	ssyncset.done $0x0  }
0x32: {  	[sflag:s12] =	ssyncadd.s32 $0xFFFFF600  }
0x33: {  	_ =	sfence.sel $0x180000  }
0x34: {  	[bflag:$0x0] =	sbarrier.arrive $0xFFFF  }
0x35: {  	p0 =	sne.s32 s0, $0x0;
	_ =	strace $0x90000047  }
0x36: {  	s0 =	sadd.s32 @!p0 $0x100000, s1;
	[bflag:$0x2] =	sbarrier.arrive $0xFFFF  }
0x37: {  	[sflag:s0] =	ssyncadd.tile.s32 @!p0 $0x1;
	_ =	shalt  }
.Lfunc_end2:
_tile_overlayer_lowered:
.L_overlay_start_2:
0x38: {  	(tag) =	ssettag $0x2  }
0x39: {  	s0 =	rddreg [dreg:$0x0];
	s2 =	stileid.u32  }
0x3a: {  	s1 =	rddreg [dreg:$0x1];
	p0 =	sne.s32 s2, $0x0  }
0x3b: {  	s3 =	rddreg [dreg:$0x2];
	[bflag:$0x3] =	sbarrier.arrive $0xFFFF;
	s2 =	simm.s32 @!p0 $0x1C01  }
0x3c: {  	[timem:s3], [sflag:s2] =	dma.local @!p0 [hbm:s0], s1  }
0x3d: {  	s0 =	simm.s32 @!p0 $0x1  }
0x3e: {  	_ =	swait.ge @!p0 [sflag:s0], s1  }
0x3f: {  	s1 =	ssub.s32 @!p0 $0x0, s1;
	[sflag:s0] =	ssyncset.done @!p0 $0x0  }
0x40: {  	[sflag:s0] =	ssyncadd.s32 @!p0 s1  }
0x41: {  	[bflag:$0x3] =	sbarrier.arrive $0xFFFF  }
0x42: {  	_ =	shalt  }

</sc_bundles>
